<compile_context>
chip_gen: v7x
topology: tpu7x:2x2x1
jax: 0.10.2.dev20260603
libtpu: 0.0.44.dev20260713+nightly
codegen_flags: <defaults>
</compile_context>

<pallas_src>
import functools

import jax
import jax.numpy as jnp
from jax import lax
from jax.experimental import pallas as pl
from jax.experimental.pallas import tpu as pltpu
from jax.experimental.pallas import tpu_sc as plsc

_EPS = 1e-6


def _tc_body(x_ref, yt_ref, xnt_ref, ynt_ref,
             sumx_ref, sumy_ref, idxx_ref, idxy_ref, xnh_ref, ynh_ref):
    b_id = pl.program_id(0)

    xb = x_ref[0]
    yt = yt_ref[0]
    p1 = xb.shape[0]
    p2 = yt.shape[1]

    x2 = jnp.sum(xb * xb, axis=1, keepdims=True)
    y2 = jnp.sum(yt * yt, axis=0, keepdims=True)
    dot = jax.lax.dot_general(
        xb.astype(jnp.bfloat16), yt.astype(jnp.bfloat16),
        (((1,), (0,)), ((), ())),
        preferred_element_type=jnp.float32)
    d = (x2 + y2) - 2.0 * dot

    rmin = jnp.min(d, axis=1, keepdims=True)
    it_l = lax.broadcasted_iota(jnp.int32, (p1, p2), 1)
    rarg = jnp.min(jnp.where(d == rmin, it_l, p2), axis=1, keepdims=True)
    idxx_ref[0] = rarg

    cmin = jnp.min(d, axis=0, keepdims=True)
    it_s = lax.broadcasted_iota(jnp.int32, (p1, p2), 0)
    carg = jnp.min(jnp.where(d == cmin, it_s, p1), axis=0, keepdims=True)
    idxy_ref[0] = carg

    @pl.when(b_id == 0)
    def _():
        sumx_ref[0, 0] = 0.0
        sumy_ref[0, 0] = 0.0

    sumx_ref[0, 0] += jnp.sum(rmin)
    sumy_ref[0, 0] += jnp.sum(cmin)

    a = xnt_ref[0]
    na = jnp.maximum(jnp.sqrt(jnp.sum(a * a, axis=0, keepdims=True)), _EPS)
    xnh_ref[0] = a / na
    b = ynt_ref[0]
    nb = jnp.maximum(jnp.sqrt(jnp.sum(b * b, axis=0, keepdims=True)), _EPS)
    ynh_ref[0] = b / nb


def _tc_stage(x, y_t, xn_t, yn_t):
    n, p1, _ = x.shape
    p2 = y_t.shape[2]
    grid = (n,)
    out_shapes = (
        jax.ShapeDtypeStruct((1, 1), jnp.float32),
        jax.ShapeDtypeStruct((1, 1), jnp.float32),
        jax.ShapeDtypeStruct((n, p1, 1), jnp.int32),
        jax.ShapeDtypeStruct((n, 1, p2), jnp.int32),
        jax.ShapeDtypeStruct((n, 3, p1), jnp.float32),
        jax.ShapeDtypeStruct((n, 3, p2), jnp.float32),
    )
    in_specs = [
        pl.BlockSpec((1, p1, 3), lambda b: (b, 0, 0)),
        pl.BlockSpec((1, 3, p2), lambda b: (b, 0, 0)),
        pl.BlockSpec((1, 3, p1), lambda b: (b, 0, 0)),
        pl.BlockSpec((1, 3, p2), lambda b: (b, 0, 0)),
    ]
    out_specs = (
        pl.BlockSpec((1, 1), lambda b: (0, 0), memory_space=pltpu.SMEM),
        pl.BlockSpec((1, 1), lambda b: (0, 0), memory_space=pltpu.SMEM),
        pl.BlockSpec((1, p1, 1), lambda b: (b, 0, 0)),
        pl.BlockSpec((1, 1, p2), lambda b: (b, 0, 0)),
        pl.BlockSpec((1, 3, p1), lambda b: (b, 0, 0)),
        pl.BlockSpec((1, 3, p2), lambda b: (b, 0, 0)),
    )
    return pl.pallas_call(
        _tc_body,
        grid=grid,
        in_specs=in_specs,
        out_specs=out_specs,
        out_shape=out_shapes,
    )(x, y_t, xn_t, yn_t)


def _sc_normal_loss(xnh_flat, ynh_flat, idx_x, idx_y):
    n, w = xnh_flat.shape
    p = w // 3
    nwork = 32
    per_b = nwork // n
    chunk = p // per_b
    groups = chunk // 16
    mesh = plsc.VectorSubcoreMesh(core_axis_name="c", subcore_axis_name="s")

    @functools.partial(
        pl.kernel,
        mesh=mesh,
        compiler_params=pltpu.CompilerParams(use_tc_tiling_on_sc=False,
                                             needs_layout_passes=False),
        out_type=jax.ShapeDtypeStruct((2, nwork, 16), jnp.float32),
        scratch_types=[
            pltpu.VMEM((w,), jnp.float32),
            pltpu.VMEM((w,), jnp.float32),
            pltpu.VMEM((chunk,), jnp.int32),
            pltpu.VMEM((chunk,), jnp.int32),
            pltpu.VMEM((16,), jnp.float32),
            pltpu.VMEM((16,), jnp.float32),
        ],
    )
    def k(xnh_hbm, ynh_hbm, idxx_hbm, idxy_hbm, out_hbm,
          xn_v, yn_v, ix_v, iy_v, accx_v, accy_v):
        wid = lax.axis_index("s") * 2 + lax.axis_index("c")
        b = wid // per_b
        q = wid % per_b
        base = q * chunk
        pltpu.sync_copy(xnh_hbm.at[b], xn_v)
        pltpu.sync_copy(ynh_hbm.at[b], yn_v)
        pltpu.sync_copy(idxx_hbm.at[b, pl.ds(base, chunk)], ix_v)
        pltpu.sync_copy(idxy_hbm.at[b, pl.ds(base, chunk)], iy_v)

        def body(g, acc):
            accx, accy = acc
            o = g * 16
            ix = ix_v[pl.ds(o, 16)]
            a0 = xn_v[pl.ds(base + o, 16)]
            a1 = xn_v[pl.ds(p + base + o, 16)]
            a2 = xn_v[pl.ds(2 * p + base + o, 16)]
            g0 = plsc.load_gather(yn_v, [ix])
            g1 = plsc.load_gather(yn_v, [ix + p])
            g2 = plsc.load_gather(yn_v, [ix + 2 * p])
            cosx = a0 * g0 + a1 * g1 + a2 * g2
            iy = iy_v[pl.ds(o, 16)]
            b0 = yn_v[pl.ds(base + o, 16)]
            b1 = yn_v[pl.ds(p + base + o, 16)]
            b2 = yn_v[pl.ds(2 * p + base + o, 16)]
            h0 = plsc.load_gather(xn_v, [iy])
            h1 = plsc.load_gather(xn_v, [iy + p])
            h2 = plsc.load_gather(xn_v, [iy + 2 * p])
            cosy = b0 * h0 + b1 * h1 + b2 * h2
            return (accx + (1.0 - jnp.abs(cosx)),
                    accy + (1.0 - jnp.abs(cosy)))

        zero = jnp.zeros((16,), jnp.float32)
        accx, accy = lax.fori_loop(0, groups, body, (zero, zero))
        accx_v[...] = accx
        accy_v[...] = accy
        pltpu.sync_copy(accx_v, out_hbm.at[0, wid])
        pltpu.sync_copy(accy_v, out_hbm.at[1, wid])

    return k(xnh_flat, ynh_flat, idx_x, idx_y)


def kernel(x, y, x_normals, y_normals):
    n, p1, _ = x.shape
    p2 = y.shape[1]
    y_t = jnp.transpose(y, (0, 2, 1))
    xn_t = jnp.transpose(x_normals, (0, 2, 1))
    yn_t = jnp.transpose(y_normals, (0, 2, 1))

    sumx, sumy, idx_x3, idx_y3, xnh, ynh = _tc_stage(x, y_t, xn_t, yn_t)
    acc = _sc_normal_loss(xnh.reshape(n, 3 * p1), ynh.reshape(n, 3 * p2),
                          idx_x3.reshape(n, p1), idx_y3.reshape(n, p2))

    cham_dist = sumx[0, 0] / (p1 * n) + sumy[0, 0] / (p2 * n)
    cham_normals = (jnp.sum(acc[0]) / (p1 * n)
                    + jnp.sum(acc[1]) / (p2 * n))
    return (cham_dist, cham_normals)

# --- scband reference (transcript-rebuilt; emitter-appended) ---
"""Pipeline reference for scband-p2-mloss-32298154066350 (READ-ONLY COPY).

The authoritative reference and input builder live on the scoring server;
editing this copy changes nothing except your own understanding.
"""

import jax, jax.numpy as jnp
import numpy as np


def setup_inputs(seed: int = 0) -> dict:
    key = jax.random.key(seed)
    k1, k2, k3, k4 = jax.random.split(key, 4)
    N, P1, P2, D = 8, 2048, 2048, 3
    x = jax.random.normal(k1, (N, P1, D), dtype=jnp.float32)
    y = jax.random.normal(k2, (N, P2, D), dtype=jnp.float32)
    x_normals = jax.random.normal(k3, (N, P1, D), dtype=jnp.float32)
    y_normals = jax.random.normal(k4, (N, P2, D), dtype=jnp.float32)
    return {"x": x, "y": y, "x_normals": x_normals, "y_normals": y_normals}


def _cosine_similarity(a, b, eps=1e-06):
    na = jnp.maximum(jnp.linalg.norm(a, axis=-1), eps)
    nb = jnp.maximum(jnp.linalg.norm(b, axis=-1), eps)
    return jnp.sum(a * b, axis=-1) / (na * nb)


def reference(x, y, x_normals, y_normals):
    # chamfer_distance core of P2MLoss: brute-force K=1 knn both directions,
    # homogeneous clouds (full lengths), point_reduction='mean', batch_reduction='mean', norm=2
    N, P1, D = x.shape
    P2 = y.shape[1]
    x2 = jnp.sum(x * x, axis=-1)              # (N, P1)
    y2 = jnp.sum(y * y, axis=-1)              # (N, P2)
    d = x2[:, :, None] + y2[:, None, :] - 2.0 * jnp.einsum('npd,nqd->npq', x, y)  # (N, P1, P2) squared L2
    cham_x = jnp.min(d, axis=2)               # (N, P1) dist to nearest y
    idx_x = jnp.argmin(d, axis=2)             # (N, P1)
    cham_y = jnp.min(d, axis=1)               # (N, P2) dist to nearest x
    idx_y = jnp.argmin(d, axis=1)             # (N, P2)
    # knn_gather of nearest-neighbor normals
    x_normals_near = jnp.take_along_axis(y_normals, idx_x[..., None], axis=1)  # (N, P1, D)
    y_normals_near = jnp.take_along_axis(x_normals, idx_y[..., None], axis=1)  # (N, P2, D)
    cham_norm_x = 1.0 - jnp.abs(_cosine_similarity(x_normals, x_normals_near))
    cham_norm_y = 1.0 - jnp.abs(_cosine_similarity(y_normals, y_normals_near))
    # point reduction: mean over points
    cham_x = jnp.sum(cham_x, axis=1) / P1
    cham_y = jnp.sum(cham_y, axis=1) / P2
    cham_norm_x = jnp.sum(cham_norm_x, axis=1) / P1
    cham_norm_y = jnp.sum(cham_norm_y, axis=1) / P2
    # batch reduction: mean
    cham_dist = (jnp.sum(cham_x) + jnp.sum(cham_y)) / N
    cham_normals = (jnp.sum(cham_norm_x) + jnp.sum(cham_norm_y)) / N
    return (cham_dist, cham_normals)

if __name__ == "__main__":
    import jax
    _d = setup_inputs()
    print(jax.jit(kernel)(*tuple(_d.values())))

</pallas_src>

<mosaic_0001>
#map = affine_map<(d0, d1) -> (0, 0)>
#map1 = affine_map<(d0, d1) -> (0, 0, 0)>
module attributes {stable_mosaic.version = 14 : i64} {
  func.func @k(%arg0: i32, %arg1: i32, %arg2: memref<8x6144xf32, #tpu.memory_space<hbm>>, %arg3: memref<8x6144xf32, #tpu.memory_space<hbm>>, %arg4: memref<8x2048xi32, #tpu.memory_space<hbm>>, %arg5: memref<8x2048xi32, #tpu.memory_space<hbm>>, %arg6: memref<2x32x16xf32, #tpu.memory_space<hbm>>, %arg7: memref<6144xf32, #tpu.memory_space<vmem>>, %arg8: memref<6144xf32, #tpu.memory_space<vmem>>, %arg9: memref<512xi32, #tpu.memory_space<vmem>>, %arg10: memref<512xi32, #tpu.memory_space<vmem>>, %arg11: memref<16xf32, #tpu.memory_space<vmem>>, %arg12: memref<16xf32, #tpu.memory_space<vmem>>) attributes {dimension_semantics = [#tpu.dimension_semantics<core_parallel>, #tpu.dimension_semantics<subcore_parallel>], iteration_bounds = array<i64: 2, 16>, scalar_prefetch = 0 : i64, scratch_operands = 6 : i64, tpu.core_type = #tpu.core_type<sc_vector_subcore>, window_params = [{transform_indices = #map}, {transform_indices = #map}, {transform_indices = #map}, {transform_indices = #map}, {transform_indices = #map1}]} {
    %mul3A = arith.constant 2 : i32
    %mul3A_0 = arith.muli %arg1, %mul3A : i32
    %add3A = arith.addi %mul3A_0, %arg0 : i32
    %jit3A = arith.constant 4 : i32
    %div3A = arith.divsi %add3A, %jit3A : i32
    %sign3A = arith.constant 0 : i32
    %sign3A_1 = arith.cmpi sgt, %add3A, %sign3A : i32
    %sign3A_2 = arith.extui %sign3A_1 : i1 to i32
    %sign3A_3 = arith.constant 0 : i32
    %sign3A_4 = arith.cmpi slt, %add3A, %sign3A_3 : i32
    %sign3A_5 = arith.extui %sign3A_4 : i1 to i32
    %sign3A_6 = arith.subi %sign3A_2, %sign3A_5 : i32
    %sign3A_7 = arith.constant 0 : i32
    %sign3A_8 = arith.cmpi sgt, %jit3A, %sign3A_7 : i32
    %sign3A_9 = arith.extui %sign3A_8 : i1 to i32
    %sign3A_10 = arith.constant 0 : i32
    %sign3A_11 = arith.cmpi slt, %jit3A, %sign3A_10 : i32
    %sign3A_12 = arith.extui %sign3A_11 : i1 to i32
    %sign3A_13 = arith.subi %sign3A_9, %sign3A_12 : i32
    %ne3A = arith.cmpi ne, %sign3A_6, %sign3A_13 : i32
    %rem3A = arith.remsi %add3A, %jit3A : i32
    %ne3A_14 = arith.constant 0 : i32
    %ne3A_15 = arith.cmpi ne, %rem3A, %ne3A_14 : i32
    %and3A = arith.andi %ne3A, %ne3A_15 : i1
    %sub3A = arith.constant 1 : i32
    %sub3A_16 = arith.subi %div3A, %sub3A : i32
    %select_n3A = arith.select %and3A, %sub3A_16, %div3A : i32
    %jit3A_17 = arith.constant 4 : i32
    %eq3A = arith.constant 0 : i32
    %eq3A_18 = arith.cmpi eq, %jit3A_17, %eq3A : i32
    %jit3A_19 = arith.constant 1 : i32
    %select_n3A_20 = arith.select %eq3A_18, %jit3A_19, %jit3A_17 : i32
    %rem3A_21 = arith.remsi %add3A, %select_n3A_20 : i32
    %ne3A_22 = arith.constant 0 : i32
    %ne3A_23 = arith.cmpi ne, %rem3A_21, %ne3A_22 : i32
    %lt3A = arith.constant 0 : i32
    %lt3A_24 = arith.cmpi slt, %rem3A_21, %lt3A : i32
    %lt3A_25 = arith.constant 0 : i32
    %lt3A_26 = arith.cmpi slt, %select_n3A_20, %lt3A_25 : i32
    %ne3A_27 = arith.xori %lt3A_24, %lt3A_26 : i1
    %and3A_28 = arith.andi %ne3A_27, %ne3A_23 : i1
    %add3A_29 = arith.addi %rem3A_21, %select_n3A_20 : i32
    %select_n3A_30 = arith.select %and3A_28, %add3A_29, %rem3A_21 : i32
    %mul3A_31 = arith.constant 512 : i32
    %mul3A_32 = arith.muli %select_n3A_30, %mul3A_31 : i32
    "tpu.region"() ({
      %run_scoped3A_43 = tpu.sem_alloc : memref<!tpu.dma_semaphore, #tpu.memory_space<semaphore_mem>>
      %dma_start3A = arith.constant 0 : i32
      %dma_start3A_44 = tpu.memref_slice %arg2[%select_n3A, %dma_start3A] : memref<8x6144xf32, #tpu.memory_space<hbm>> -> memref<1x6144xf32, #tpu.memory_space<hbm>>
      %dma_start3A_45 = tpu.memref_squeeze %dma_start3A_44 : memref<1x6144xf32, #tpu.memory_space<hbm>> -> memref<6144xf32, #tpu.memory_space<hbm>>
      %dma_start3A_46 = arith.constant 0 : i32
      %dma_start3A_47 = tpu.memref_slice %arg2[%select_n3A, %dma_start3A_46] : memref<8x6144xf32, #tpu.memory_space<hbm>> -> memref<1x6144xf32, #tpu.memory_space<hbm>>
      %dma_start3A_48 = tpu.memref_squeeze %dma_start3A_47 : memref<1x6144xf32, #tpu.memory_space<hbm>> -> memref<6144xf32, #tpu.memory_space<hbm>>
      tpu.enqueue_dma source(%dma_start3A_48 : memref<6144xf32, #tpu.memory_space<hbm>>) target(%arg7 : memref<6144xf32, #tpu.memory_space<vmem>>) target_semaphore(%run_scoped3A_43 : memref<!tpu.dma_semaphore, #tpu.memory_space<semaphore_mem>>)
      %dma_wait3A = arith.constant 0 : i32
      %dma_wait3A_49 = tpu.memref_slice %arg2[%select_n3A, %dma_wait3A] : memref<8x6144xf32, #tpu.memory_space<hbm>> -> memref<1x6144xf32, #tpu.memory_space<hbm>>
      %dma_wait3A_50 = tpu.memref_squeeze %dma_wait3A_49 : memref<1x6144xf32, #tpu.memory_space<hbm>> -> memref<6144xf32, #tpu.memory_space<hbm>>
      %dma_wait3A_51 = arith.constant 0 : i32
      %dma_wait3A_52 = tpu.memref_slice %arg2[%select_n3A, %dma_wait3A_51] : memref<8x6144xf32, #tpu.memory_space<hbm>> -> memref<1x6144xf32, #tpu.memory_space<hbm>>
      %dma_wait3A_53 = tpu.memref_squeeze %dma_wait3A_52 : memref<1x6144xf32, #tpu.memory_space<hbm>> -> memref<6144xf32, #tpu.memory_space<hbm>>
      tpu.wait_dma2 semaphore(%run_scoped3A_43 : memref<!tpu.dma_semaphore, #tpu.memory_space<semaphore_mem>>) src(%dma_wait3A_53 : memref<6144xf32, #tpu.memory_space<hbm>>) dst(%arg7 : memref<6144xf32, #tpu.memory_space<vmem>>)
      tpu.yield
    }) : () -> ()
    "tpu.region"() ({
      %run_scoped3A_43 = tpu.sem_alloc : memref<!tpu.dma_semaphore, #tpu.memory_space<semaphore_mem>>
      %dma_start3A = arith.constant 0 : i32
      %dma_start3A_44 = tpu.memref_slice %arg3[%select_n3A, %dma_start3A] : memref<8x6144xf32, #tpu.memory_space<hbm>> -> memref<1x6144xf32, #tpu.memory_space<hbm>>
      %dma_start3A_45 = tpu.memref_squeeze %dma_start3A_44 : memref<1x6144xf32, #tpu.memory_space<hbm>> -> memref<6144xf32, #tpu.memory_space<hbm>>
      %dma_start3A_46 = arith.constant 0 : i32
      %dma_start3A_47 = tpu.memref_slice %arg3[%select_n3A, %dma_start3A_46] : memref<8x6144xf32, #tpu.memory_space<hbm>> -> memref<1x6144xf32, #tpu.memory_space<hbm>>
      %dma_start3A_48 = tpu.memref_squeeze %dma_start3A_47 : memref<1x6144xf32, #tpu.memory_space<hbm>> -> memref<6144xf32, #tpu.memory_space<hbm>>
      tpu.enqueue_dma source(%dma_start3A_48 : memref<6144xf32, #tpu.memory_space<hbm>>) target(%arg8 : memref<6144xf32, #tpu.memory_space<vmem>>) target_semaphore(%run_scoped3A_43 : memref<!tpu.dma_semaphore, #tpu.memory_space<semaphore_mem>>)
      %dma_wait3A = arith.constant 0 : i32
      %dma_wait3A_49 = tpu.memref_slice %arg3[%select_n3A, %dma_wait3A] : memref<8x6144xf32, #tpu.memory_space<hbm>> -> memref<1x6144xf32, #tpu.memory_space<hbm>>
      %dma_wait3A_50 = tpu.memref_squeeze %dma_wait3A_49 : memref<1x6144xf32, #tpu.memory_space<hbm>> -> memref<6144xf32, #tpu.memory_space<hbm>>
      %dma_wait3A_51 = arith.constant 0 : i32
      %dma_wait3A_52 = tpu.memref_slice %arg3[%select_n3A, %dma_wait3A_51] : memref<8x6144xf32, #tpu.memory_space<hbm>> -> memref<1x6144xf32, #tpu.memory_space<hbm>>
      %dma_wait3A_53 = tpu.memref_squeeze %dma_wait3A_52 : memref<1x6144xf32, #tpu.memory_space<hbm>> -> memref<6144xf32, #tpu.memory_space<hbm>>
      tpu.wait_dma2 semaphore(%run_scoped3A_43 : memref<!tpu.dma_semaphore, #tpu.memory_space<semaphore_mem>>) src(%dma_wait3A_53 : memref<6144xf32, #tpu.memory_space<hbm>>) dst(%arg8 : memref<6144xf32, #tpu.memory_space<vmem>>)
      tpu.yield
    }) : () -> ()
    "tpu.region"() ({
      %run_scoped3A_43 = tpu.sem_alloc : memref<!tpu.dma_semaphore, #tpu.memory_space<semaphore_mem>>
      %dma_start3A = tpu.memref_slice %arg4[%select_n3A, %mul3A_32] : memref<8x2048xi32, #tpu.memory_space<hbm>> -> memref<1x512xi32, #tpu.memory_space<hbm>>
      %dma_start3A_44 = tpu.memref_squeeze %dma_start3A : memref<1x512xi32, #tpu.memory_space<hbm>> -> memref<512xi32, #tpu.memory_space<hbm>>
      %dma_start3A_45 = tpu.memref_slice %arg4[%select_n3A, %mul3A_32] : memref<8x2048xi32, #tpu.memory_space<hbm>> -> memref<1x512xi32, #tpu.memory_space<hbm>>
      %dma_start3A_46 = tpu.memref_squeeze %dma_start3A_45 : memref<1x512xi32, #tpu.memory_space<hbm>> -> memref<512xi32, #tpu.memory_space<hbm>>
      tpu.enqueue_dma source(%dma_start3A_46 : memref<512xi32, #tpu.memory_space<hbm>>) target(%arg9 : memref<512xi32, #tpu.memory_space<vmem>>) target_semaphore(%run_scoped3A_43 : memref<!tpu.dma_semaphore, #tpu.memory_space<semaphore_mem>>)
      %dma_wait3A = tpu.memref_slice %arg4[%select_n3A, %mul3A_32] : memref<8x2048xi32, #tpu.memory_space<hbm>> -> memref<1x512xi32, #tpu.memory_space<hbm>>
      %dma_wait3A_47 = tpu.memref_squeeze %dma_wait3A : memref<1x512xi32, #tpu.memory_space<hbm>> -> memref<512xi32, #tpu.memory_space<hbm>>
      %dma_wait3A_48 = tpu.memref_slice %arg4[%select_n3A, %mul3A_32] : memref<8x2048xi32, #tpu.memory_space<hbm>> -> memref<1x512xi32, #tpu.memory_space<hbm>>
      %dma_wait3A_49 = tpu.memref_squeeze %dma_wait3A_48 : memref<1x512xi32, #tpu.memory_space<hbm>> -> memref<512xi32, #tpu.memory_space<hbm>>
      tpu.wait_dma2 semaphore(%run_scoped3A_43 : memref<!tpu.dma_semaphore, #tpu.memory_space<semaphore_mem>>) src(%dma_wait3A_49 : memref<512xi32, #tpu.memory_space<hbm>>) dst(%arg9 : memref<512xi32, #tpu.memory_space<vmem>>)
      tpu.yield
    }) : () -> ()
    "tpu.region"() ({
      %run_scoped3A_43 = tpu.sem_alloc : memref<!tpu.dma_semaphore, #tpu.memory_space<semaphore_mem>>
      %dma_start3A = tpu.memref_slice %arg5[%select_n3A, %mul3A_32] : memref<8x2048xi32, #tpu.memory_space<hbm>> -> memref<1x512xi32, #tpu.memory_space<hbm>>
      %dma_start3A_44 = tpu.memref_squeeze %dma_start3A : memref<1x512xi32, #tpu.memory_space<hbm>> -> memref<512xi32, #tpu.memory_space<hbm>>
      %dma_start3A_45 = tpu.memref_slice %arg5[%select_n3A, %mul3A_32] : memref<8x2048xi32, #tpu.memory_space<hbm>> -> memref<1x512xi32, #tpu.memory_space<hbm>>
      %dma_start3A_46 = tpu.memref_squeeze %dma_start3A_45 : memref<1x512xi32, #tpu.memory_space<hbm>> -> memref<512xi32, #tpu.memory_space<hbm>>
      tpu.enqueue_dma source(%dma_start3A_46 : memref<512xi32, #tpu.memory_space<hbm>>) target(%arg10 : memref<512xi32, #tpu.memory_space<vmem>>) target_semaphore(%run_scoped3A_43 : memref<!tpu.dma_semaphore, #tpu.memory_space<semaphore_mem>>)
      %dma_wait3A = tpu.memref_slice %arg5[%select_n3A, %mul3A_32] : memref<8x2048xi32, #tpu.memory_space<hbm>> -> memref<1x512xi32, #tpu.memory_space<hbm>>
      %dma_wait3A_47 = tpu.memref_squeeze %dma_wait3A : memref<1x512xi32, #tpu.memory_space<hbm>> -> memref<512xi32, #tpu.memory_space<hbm>>
      %dma_wait3A_48 = tpu.memref_slice %arg5[%select_n3A, %mul3A_32] : memref<8x2048xi32, #tpu.memory_space<hbm>> -> memref<1x512xi32, #tpu.memory_space<hbm>>
      %dma_wait3A_49 = tpu.memref_squeeze %dma_wait3A_48 : memref<1x512xi32, #tpu.memory_space<hbm>> -> memref<512xi32, #tpu.memory_space<hbm>>
      tpu.wait_dma2 semaphore(%run_scoped3A_43 : memref<!tpu.dma_semaphore, #tpu.memory_space<semaphore_mem>>) src(%dma_wait3A_49 : memref<512xi32, #tpu.memory_space<hbm>>) dst(%arg10 : memref<512xi32, #tpu.memory_space<vmem>>)
      tpu.yield
    }) : () -> ()
    %broadcast_in_dim3A = arith.constant 0.000000e+00 : f32
    %broadcast_in_dim3A_33 = vector.broadcast %broadcast_in_dim3A : f32 to vector<16xf32>
    %scan3A = arith.constant 0 : i32
    %scan3A_34 = arith.constant 32 : i32
    %scan3A_35 = arith.addi %scan3A, %scan3A_34 : i32
    %scan3A_36 = arith.constant 1 : i32
    %scan3A_37:2 = scf.for %scan3A_43 = %scan3A to %scan3A_35 step %scan3A_36 iter_args(%scan3A_44 = %broadcast_in_dim3A_33, %scan3A_45 = %broadcast_in_dim3A_33) -> (vector<16xf32>, vector<16xf32>)  : i32 {
      %mul3A_46 = arith.constant 16 : i32
      %mul3A_47 = arith.muli %scan3A_43, %mul3A_46 : i32
      %get3A = arith.index_cast %mul3A_47 : i32 to index
      %get3A_48 = tpu.vector_load %arg9[%get3A] {strides = array<i32>} : memref<512xi32, #tpu.memory_space<vmem>>, vector<16xi32>,
      %add3A_49 = arith.addi %mul3A_32, %mul3A_47 : i32
      %get3A_50 = arith.index_cast %add3A_49 : i32 to index
      %get3A_51 = tpu.vector_load %arg7[%get3A_50] {strides = array<i32>} : memref<6144xf32, #tpu.memory_space<vmem>>, vector<16xf32>,
      %add3A_52 = arith.constant 2048 : i32
      %add3A_53 = arith.addi %add3A_52, %mul3A_32 : i32
      %add3A_54 = arith.addi %add3A_53, %mul3A_47 : i32
      %get3A_55 = arith.index_cast %add3A_54 : i32 to index
      %get3A_56 = tpu.vector_load %arg7[%get3A_55] {strides = array<i32>} : memref<6144xf32, #tpu.memory_space<vmem>>, vector<16xf32>,
      %add3A_57 = arith.constant 4096 : i32
      %add3A_58 = arith.addi %add3A_57, %mul3A_32 : i32
      %add3A_59 = arith.addi %add3A_58, %mul3A_47 : i32
      %get3A_60 = arith.index_cast %add3A_59 : i32 to index
      %get3A_61 = tpu.vector_load %arg7[%get3A_60] {strides = array<i32>} : memref<6144xf32, #tpu.memory_space<vmem>>, vector<16xf32>,
      %gather3A = tpu.vector_load_idx %arg8[%get3A_48] : memref<6144xf32, #tpu.memory_space<vmem>>[vector<16xi32>], vector<16xf32>,
      %add3A_62 = arith.constant 2048 : i32
      %add3A_63 = vector.broadcast %add3A_62 : i32 to vector<16xi32>
      %add3A_64 = arith.addi %get3A_48, %add3A_63 : vector<16xi32>
      %gather3A_65 = tpu.vector_load_idx %arg8[%add3A_64] : memref<6144xf32, #tpu.memory_space<vmem>>[vector<16xi32>], vector<16xf32>,
      %add3A_66 = arith.constant 4096 : i32
      %add3A_67 = vector.broadcast %add3A_66 : i32 to vector<16xi32>
      %add3A_68 = arith.addi %get3A_48, %add3A_67 : vector<16xi32>
      %gather3A_69 = tpu.vector_load_idx %arg8[%add3A_68] : memref<6144xf32, #tpu.memory_space<vmem>>[vector<16xi32>], vector<16xf32>,
      %mul3A_70 = arith.mulf %get3A_51, %gather3A : vector<16xf32>
      %mul3A_71 = arith.mulf %get3A_56, %gather3A_65 : vector<16xf32>
      %add3A_72 = arith.addf %mul3A_70, %mul3A_71 : vector<16xf32>
      %mul3A_73 = arith.mulf %get3A_61, %gather3A_69 : vector<16xf32>
      %add3A_74 = arith.addf %add3A_72, %mul3A_73 : vector<16xf32>
      %get3A_75 = arith.index_cast %mul3A_47 : i32 to index
      %get3A_76 = tpu.vector_load %arg10[%get3A_75] {strides = array<i32>} : memref<512xi32, #tpu.memory_space<vmem>>, vector<16xi32>,
      %add3A_77 = arith.addi %mul3A_32, %mul3A_47 : i32
      %get3A_78 = arith.index_cast %add3A_77 : i32 to index
      %get3A_79 = tpu.vector_load %arg8[%get3A_78] {strides = array<i32>} : memref<6144xf32, #tpu.memory_space<vmem>>, vector<16xf32>,
      %add3A_80 = arith.constant 2048 : i32
      %add3A_81 = arith.addi %add3A_80, %mul3A_32 : i32
      %add3A_82 = arith.addi %add3A_81, %mul3A_47 : i32
      %get3A_83 = arith.index_cast %add3A_82 : i32 to index
      %get3A_84 = tpu.vector_load %arg8[%get3A_83] {strides = array<i32>} : memref<6144xf32, #tpu.memory_space<vmem>>, vector<16xf32>,
      %add3A_85 = arith.constant 4096 : i32
      %add3A_86 = arith.addi %add3A_85, %mul3A_32 : i32
      %add3A_87 = arith.addi %add3A_86, %mul3A_47 : i32
      %get3A_88 = arith.index_cast %add3A_87 : i32 to index
      %get3A_89 = tpu.vector_load %arg8[%get3A_88] {strides = array<i32>} : memref<6144xf32, #tpu.memory_space<vmem>>, vector<16xf32>,
      %gather3A_90 = tpu.vector_load_idx %arg7[%get3A_76] : memref<6144xf32, #tpu.memory_space<vmem>>[vector<16xi32>], vector<16xf32>,
      %add3A_91 = arith.constant 2048 : i32
      %add3A_92 = vector.broadcast %add3A_91 : i32 to vector<16xi32>
      %add3A_93 = arith.addi %get3A_76, %add3A_92 : vector<16xi32>
      %gather3A_94 = tpu.vector_load_idx %arg7[%add3A_93] : memref<6144xf32, #tpu.memory_space<vmem>>[vector<16xi32>], vector<16xf32>,
      %add3A_95 = arith.constant 4096 : i32
      %add3A_96 = vector.broadcast %add3A_95 : i32 to vector<16xi32>
      %add3A_97 = arith.addi %get3A_76, %add3A_96 : vector<16xi32>
      %gather3A_98 = tpu.vector_load_idx %arg7[%add3A_97] : memref<6144xf32, #tpu.memory_space<vmem>>[vector<16xi32>], vector<16xf32>,
      %mul3A_99 = arith.mulf %get3A_79, %gather3A_90 : vector<16xf32>
      %mul3A_100 = arith.mulf %get3A_84, %gather3A_94 : vector<16xf32>
      %add3A_101 = arith.addf %mul3A_99, %mul3A_100 : vector<16xf32>
      %mul3A_102 = arith.mulf %get3A_89, %gather3A_98 : vector<16xf32>
      %add3A_103 = arith.addf %add3A_101, %mul3A_102 : vector<16xf32>
      %abs3A = math.absf %add3A_74 : vector<16xf32>
      %sub3A_104 = arith.constant 1.000000e+00 : f32
      %sub3A_105 = vector.broadcast %sub3A_104 : f32 to vector<16xf32>
      %sub3A_106 = arith.subf %sub3A_105, %abs3A : vector<16xf32>
      %add3A_107 = arith.addf %scan3A_44, %sub3A_106 : vector<16xf32>
      %abs3A_108 = math.absf %add3A_103 : vector<16xf32>
      %sub3A_109 = arith.constant 1.000000e+00 : f32
      %sub3A_110 = vector.broadcast %sub3A_109 : f32 to vector<16xf32>
      %sub3A_111 = arith.subf %sub3A_110, %abs3A_108 : vector<16xf32>
      %add3A_112 = arith.addf %scan3A_45, %sub3A_111 : vector<16xf32>
      scf.yield %add3A_107, %add3A_112 : vector<16xf32>, vector<16xf32>
    }
    %scan3A_38 = arith.constant 32 : i32
    %swap3A = arith.constant 0 : index
    %swap3A_39 = tpu.vector_load %arg11[%swap3A] {strides = array<i32>} : memref<16xf32, #tpu.memory_space<vmem>>, vector<16xf32>,
    tpu.vector_store %arg11[%swap3A], %scan3A_37#0 {strides = array<i32>} : memref<16xf32, #tpu.memory_space<vmem>>, vector<16xf32>,
    %swap3A_40 = arith.constant 0 : index
    %swap3A_41 = tpu.vector_load %arg12[%swap3A_40] {strides = array<i32>} : memref<16xf32, #tpu.memory_space<vmem>>, vector<16xf32>,
    tpu.vector_store %arg12[%swap3A_40], %scan3A_37#1 {strides = array<i32>} : memref<16xf32, #tpu.memory_space<vmem>>, vector<16xf32>,
    %run_scoped3A = arith.constant 0 : i32
    "tpu.region"() ({
      %run_scoped3A_43 = tpu.sem_alloc : memref<!tpu.dma_semaphore, #tpu.memory_space<semaphore_mem>>
      %dma_start3A = arith.constant 0 : i32
      %dma_start3A_44 = tpu.memref_slice %arg6[%run_scoped3A, %add3A, %dma_start3A] : memref<2x32x16xf32, #tpu.memory_space<hbm>> -> memref<1x1x16xf32, #tpu.memory_space<hbm>>
      %dma_start3A_45 = tpu.memref_squeeze %dma_start3A_44 : memref<1x1x16xf32, #tpu.memory_space<hbm>> -> memref<16xf32, #tpu.memory_space<hbm>>
      %dma_start3A_46 = arith.constant 0 : i32
      %dma_start3A_47 = tpu.memref_slice %arg6[%run_scoped3A, %add3A, %dma_start3A_46] : memref<2x32x16xf32, #tpu.memory_space<hbm>> -> memref<1x1x16xf32, #tpu.memory_space<hbm>>
      %dma_start3A_48 = tpu.memref_squeeze %dma_start3A_47 : memref<1x1x16xf32, #tpu.memory_space<hbm>> -> memref<16xf32, #tpu.memory_space<hbm>>
      tpu.enqueue_dma source(%arg11 : memref<16xf32, #tpu.memory_space<vmem>>) target(%dma_start3A_48 : memref<16xf32, #tpu.memory_space<hbm>>) target_semaphore(%run_scoped3A_43 : memref<!tpu.dma_semaphore, #tpu.memory_space<semaphore_mem>>)
      %dma_wait3A = arith.constant 0 : i32
      %dma_wait3A_49 = tpu.memref_slice %arg6[%run_scoped3A, %add3A, %dma_wait3A] : memref<2x32x16xf32, #tpu.memory_space<hbm>> -> memref<1x1x16xf32, #tpu.memory_space<hbm>>
      %dma_wait3A_50 = tpu.memref_squeeze %dma_wait3A_49 : memref<1x1x16xf32, #tpu.memory_space<hbm>> -> memref<16xf32, #tpu.memory_space<hbm>>
      %dma_wait3A_51 = arith.constant 0 : i32
      %dma_wait3A_52 = tpu.memref_slice %arg6[%run_scoped3A, %add3A, %dma_wait3A_51] : memref<2x32x16xf32, #tpu.memory_space<hbm>> -> memref<1x1x16xf32, #tpu.memory_space<hbm>>
      %dma_wait3A_53 = tpu.memref_squeeze %dma_wait3A_52 : memref<1x1x16xf32, #tpu.memory_space<hbm>> -> memref<16xf32, #tpu.memory_space<hbm>>
      tpu.wait_dma2 semaphore(%run_scoped3A_43 : memref<!tpu.dma_semaphore, #tpu.memory_space<semaphore_mem>>) src(%arg11 : memref<16xf32, #tpu.memory_space<vmem>>) dst(%dma_wait3A_53 : memref<16xf32, #tpu.memory_space<hbm>>)
      tpu.yield
    }) : () -> ()
    %run_scoped3A_42 = arith.constant 1 : i32
    "tpu.region"() ({
      %run_scoped3A_43 = tpu.sem_alloc : memref<!tpu.dma_semaphore, #tpu.memory_space<semaphore_mem>>
      %dma_start3A = arith.constant 0 : i32
      %dma_start3A_44 = tpu.memref_slice %arg6[%run_scoped3A_42, %add3A, %dma_start3A] : memref<2x32x16xf32, #tpu.memory_space<hbm>> -> memref<1x1x16xf32, #tpu.memory_space<hbm>>
      %dma_start3A_45 = tpu.memref_squeeze %dma_start3A_44 : memref<1x1x16xf32, #tpu.memory_space<hbm>> -> memref<16xf32, #tpu.memory_space<hbm>>
      %dma_start3A_46 = arith.constant 0 : i32
      %dma_start3A_47 = tpu.memref_slice %arg6[%run_scoped3A_42, %add3A, %dma_start3A_46] : memref<2x32x16xf32, #tpu.memory_space<hbm>> -> memref<1x1x16xf32, #tpu.memory_space<hbm>>
      %dma_start3A_48 = tpu.memref_squeeze %dma_start3A_47 : memref<1x1x16xf32, #tpu.memory_space<hbm>> -> memref<16xf32, #tpu.memory_space<hbm>>
      tpu.enqueue_dma source(%arg12 : memref<16xf32, #tpu.memory_space<vmem>>) target(%dma_start3A_48 : memref<16xf32, #tpu.memory_space<hbm>>) target_semaphore(%run_scoped3A_43 : memref<!tpu.dma_semaphore, #tpu.memory_space<semaphore_mem>>)
      %dma_wait3A = arith.constant 0 : i32
      %dma_wait3A_49 = tpu.memref_slice %arg6[%run_scoped3A_42, %add3A, %dma_wait3A] : memref<2x32x16xf32, #tpu.memory_space<hbm>> -> memref<1x1x16xf32, #tpu.memory_space<hbm>>
      %dma_wait3A_50 = tpu.memref_squeeze %dma_wait3A_49 : memref<1x1x16xf32, #tpu.memory_space<hbm>> -> memref<16xf32, #tpu.memory_space<hbm>>
      %dma_wait3A_51 = arith.constant 0 : i32
      %dma_wait3A_52 = tpu.memref_slice %arg6[%run_scoped3A_42, %add3A, %dma_wait3A_51] : memref<2x32x16xf32, #tpu.memory_space<hbm>> -> memref<1x1x16xf32, #tpu.memory_space<hbm>>
      %dma_wait3A_53 = tpu.memref_squeeze %dma_wait3A_52 : memref<1x1x16xf32, #tpu.memory_space<hbm>> -> memref<16xf32, #tpu.memory_space<hbm>>
      tpu.wait_dma2 semaphore(%run_scoped3A_43 : memref<!tpu.dma_semaphore, #tpu.memory_space<semaphore_mem>>) src(%arg12 : memref<16xf32, #tpu.memory_space<vmem>>) dst(%dma_wait3A_53 : memref<16xf32, #tpu.memory_space<hbm>>)
      tpu.yield
    }) : () -> ()
    return
  }
}

module attributes {stable_mosaic.version = 14 : i64} {
  func.func @_tc_body(%arg0: i32, %arg1: memref<1x2048x3xf32, #tpu.memory_space<vmem>>, %arg2: memref<1x3x2048xf32, #tpu.memory_space<vmem>>, %arg3: memref<1x3x2048xf32, #tpu.memory_space<vmem>>, %arg4: memref<1x3x2048xf32, #tpu.memory_space<vmem>>, %arg5: memref<1x1xf32, #tpu.memory_space<smem>>, %arg6: memref<1x1xf32, #tpu.memory_space<smem>>, %arg7: memref<1x2048x1xi32, #tpu.memory_space<vmem>>, %arg8: memref<1x1x2048xi32, #tpu.memory_space<vmem>>, %arg9: memref<1x3x2048xf32, #tpu.memory_space<vmem>>, %arg10: memref<1x3x2048xf32, #tpu.memory_space<vmem>>) attributes {dimension_semantics = [#tpu.dimension_semantics<arbitrary>], iteration_bounds = array<i64: 8>, scalar_prefetch = 0 : i64, scratch_operands = 0 : i64, tpu.core_type = #tpu.core_type<tc>, window_params = [{transform_indices = @transform_0, window_bounds = array<i64: 1, 2048, 3>}, {transform_indices = @transform_1, window_bounds = array<i64: 1, 3, 2048>}, {transform_indices = @transform_2, window_bounds = array<i64: 1, 3, 2048>}, {transform_indices = @transform_3, window_bounds = array<i64: 1, 3, 2048>}, {transform_indices = @transform_4, window_bounds = array<i64: 1, 1>}, {transform_indices = @transform_5, window_bounds = array<i64: 1, 1>}, {transform_indices = @transform_6, window_bounds = array<i64: 1, 2048, 1>}, {transform_indices = @transform_7, window_bounds = array<i64: 1, 1, 2048>}, {transform_indices = @transform_8, window_bounds = array<i64: 1, 3, 2048>}, {transform_indices = @transform_9, window_bounds = array<i64: 1, 3, 2048>}]} {
    %get3A = arith.constant 0 : index
    %get3A_0 = arith.constant 0 : index
    %get3A_1 = arith.constant 0 : index
    %get3A_2 = vector.load %arg1[%get3A, %get3A_0, %get3A_1] : memref<1x2048x3xf32, #tpu.memory_space<vmem>>, vector<1x2048x3xf32>
    %get3A_3 = vector.shape_cast %get3A_2 : vector<1x2048x3xf32> to vector<2048x3xf32>
    %get3A_4 = arith.constant 0 : index
    %get3A_5 = arith.constant 0 : index
    %get3A_6 = arith.constant 0 : index
    %get3A_7 = vector.load %arg2[%get3A_4, %get3A_5, %get3A_6] : memref<1x3x2048xf32, #tpu.memory_space<vmem>>, vector<1x3x2048xf32>
    %get3A_8 = vector.shape_cast %get3A_7 : vector<1x3x2048xf32> to vector<3x2048xf32>
    %mul3A = arith.mulf %get3A_3, %get3A_3 : vector<2048x3xf32>
    %reduce_sum3A = arith.constant dense<0.000000e+00> : vector<2048xf32>
    %reduce_sum3A_9 = vector.multi_reduction <add>, %mul3A, %reduce_sum3A [1] : vector<2048x3xf32> to vector<2048xf32>
    %broadcast_in_dim3A = vector.shape_cast %reduce_sum3A_9 : vector<2048xf32> to vector<2048x1xf32>
    %mul3A_10 = arith.mulf %get3A_8, %get3A_8 : vector<3x2048xf32>
    %reduce_sum3A_11 = arith.constant dense<0.000000e+00> : vector<2048xf32>
    %reduce_sum3A_12 = vector.multi_reduction <add>, %mul3A_10, %reduce_sum3A_11 [0] : vector<3x2048xf32> to vector<2048xf32>
    %broadcast_in_dim3A_13 = vector.shape_cast %reduce_sum3A_12 : vector<2048xf32> to vector<1x2048xf32>
    %convert_element_type3A = arith.truncf %get3A_3 : vector<2048x3xf32> to vector<2048x3xbf16>
    %convert_element_type3A_14 = arith.truncf %get3A_8 : vector<3x2048xf32> to vector<3x2048xbf16>
    %dot_general3A = arith.constant dense<0.000000e+00> : vector<2048x2048xf32>
    %dot_general3A_15 = tpu.matmul %convert_element_type3A, %convert_element_type3A_14, %dot_general3A {dimension_numbers = #tpu.dot_dimension_numbers<[1], [0], [0], [1], [0, 0, 1, 1], [], []>, transpose_lhs_hint = false} : vector<2048x3xbf16>, vector<3x2048xbf16>, vector<2048x2048xf32> -> vector<2048x2048xf32>
    %add3A = vector.broadcast %broadcast_in_dim3A : vector<2048x1xf32> to vector<2048x2048xf32>
    %add3A_16 = vector.broadcast %broadcast_in_dim3A_13 : vector<1x2048xf32> to vector<2048x2048xf32>
    %add3A_17 = arith.addf %add3A, %add3A_16 : vector<2048x2048xf32>
    %mul3A_18 = arith.constant 2.000000e+00 : f32
    %mul3A_19 = vector.broadcast %mul3A_18 : f32 to vector<2048x2048xf32>
    %mul3A_20 = arith.mulf %mul3A_19, %dot_general3A_15 : vector<2048x2048xf32>
    %sub3A = arith.subf %add3A_17, %mul3A_20 : vector<2048x2048xf32>
    %reduce_min3A = arith.constant dense<0x7F800000> : vector<2048xf32>
    %reduce_min3A_21 = vector.multi_reduction <minimumf>, %sub3A, %reduce_min3A [1] : vector<2048x2048xf32> to vector<2048xf32>
    %broadcast_in_dim3A_22 = vector.shape_cast %reduce_min3A_21 : vector<2048xf32> to vector<2048x1xf32>
    %iota3A = tpu.iota {dimensions = array<i32: 1>} : vector<2048x2048xi32>
    %eq3A = vector.broadcast %broadcast_in_dim3A_22 : vector<2048x1xf32> to vector<2048x2048xf32>
    %eq3A_23 = arith.cmpf oeq, %sub3A, %eq3A : vector<2048x2048xf32>
    %jit3A = arith.constant 2048 : i32
    %broadcast_in_dim3A_24 = vector.broadcast %jit3A : i32 to vector<2048x2048xi32>
    %select_n3A = arith.select %eq3A_23, %iota3A, %broadcast_in_dim3A_24 : vector<2048x2048xi1>, vector<2048x2048xi32>
    %reduce_min3A_25 = arith.constant dense<2147483647> : vector<2048xi32>
    %reduce_min3A_26 = vector.multi_reduction <minsi>, %select_n3A, %reduce_min3A_25 [1] : vector<2048x2048xi32> to vector<2048xi32>
    %broadcast_in_dim3A_27 = vector.shape_cast %reduce_min3A_26 : vector<2048xi32> to vector<2048x1xi32>
    %swap3A = arith.constant 0 : index
    %swap3A_28 = arith.constant 0 : index
    %swap3A_29 = arith.constant 0 : index
    %swap3A_30 = vector.load %arg7[%swap3A, %swap3A_28, %swap3A_29] : memref<1x2048x1xi32, #tpu.memory_space<vmem>>, vector<1x2048x1xi32>
    %swap3A_31 = vector.shape_cast %swap3A_30 : vector<1x2048x1xi32> to vector<2048x1xi32>
    %swap3A_32 = vector.shape_cast %broadcast_in_dim3A_27 : vector<2048x1xi32> to vector<1x2048x1xi32>
    tpu.vector_store %arg7[%swap3A, %swap3A_28, %swap3A_29], %swap3A_32 {strides = array<i32>} : memref<1x2048x1xi32, #tpu.memory_space<vmem>>, vector<1x2048x1xi32>,
    %reduce_min3A_33 = arith.constant dense<0x7F800000> : vector<2048xf32>
    %reduce_min3A_34 = vector.multi_reduction <minimumf>, %sub3A, %reduce_min3A_33 [0] : vector<2048x2048xf32> to vector<2048xf32>
    %broadcast_in_dim3A_35 = vector.shape_cast %reduce_min3A_34 : vector<2048xf32> to vector<1x2048xf32>
    %iota3A_36 = tpu.iota {dimensions = array<i32: 0>} : vector<2048x2048xi32>
    %eq3A_37 = vector.broadcast %broadcast_in_dim3A_35 : vector<1x2048xf32> to vector<2048x2048xf32>
    %eq3A_38 = arith.cmpf oeq, %sub3A, %eq3A_37 : vector<2048x2048xf32>
    %jit3A_39 = arith.constant 2048 : i32
    %broadcast_in_dim3A_40 = vector.broadcast %jit3A_39 : i32 to vector<2048x2048xi32>
    %select_n3A_41 = arith.select %eq3A_38, %iota3A_36, %broadcast_in_dim3A_40 : vector<2048x2048xi1>, vector<2048x2048xi32>
    %reduce_min3A_42 = arith.constant dense<2147483647> : vector<2048xi32>
    %reduce_min3A_43 = vector.multi_reduction <minsi>, %select_n3A_41, %reduce_min3A_42 [0] : vector<2048x2048xi32> to vector<2048xi32>
    %broadcast_in_dim3A_44 = vector.shape_cast %reduce_min3A_43 : vector<2048xi32> to vector<1x2048xi32>
    %swap3A_45 = arith.constant 0 : index
    %swap3A_46 = arith.constant 0 : index
    %swap3A_47 = arith.constant 0 : index
    %swap3A_48 = vector.load %arg8[%swap3A_45, %swap3A_46, %swap3A_47] : memref<1x1x2048xi32, #tpu.memory_space<vmem>>, vector<1x1x2048xi32>
    %swap3A_49 = vector.shape_cast %swap3A_48 : vector<1x1x2048xi32> to vector<1x2048xi32>
    %swap3A_50 = vector.shape_cast %broadcast_in_dim3A_44 : vector<1x2048xi32> to vector<1x1x2048xi32>
    tpu.vector_store %arg8[%swap3A_45, %swap3A_46, %swap3A_47], %swap3A_50 {strides = array<i32>} : memref<1x1x2048xi32, #tpu.memory_space<vmem>>, vector<1x1x2048xi32>,
    %eq3A_51 = arith.constant 0 : i32
    %eq3A_52 = arith.cmpi eq, %arg0, %eq3A_51 : i32
    %convert_element_type3A_53 = arith.extui %eq3A_52 : i1 to i32
    %cond3A = arith.constant 0 : i32
    %cond3A_54 = arith.cmpi ne, %convert_element_type3A_53, %cond3A : i32
    scf.if %cond3A_54 {
      %swap3A_118 = arith.constant 0.000000e+00 : f32
      %swap3A_119 = arith.constant 0 : index
      %swap3A_120 = arith.constant 0 : index
      %swap3A_121 = memref.load %arg5[%swap3A_119, %swap3A_120] : memref<1x1xf32, #tpu.memory_space<smem>>
      memref.store %swap3A_118, %arg5[%swap3A_119, %swap3A_120] : memref<1x1xf32, #tpu.memory_space<smem>>
      %swap3A_122 = arith.constant 0.000000e+00 : f32
      %swap3A_123 = arith.constant 0 : index
      %swap3A_124 = arith.constant 0 : index
      %swap3A_125 = memref.load %arg6[%swap3A_123, %swap3A_124] : memref<1x1xf32, #tpu.memory_space<smem>>
      memref.store %swap3A_122, %arg6[%swap3A_123, %swap3A_124] : memref<1x1xf32, #tpu.memory_space<smem>>
    } else {
    }
    %get3A_55 = arith.constant 0 : index
    %get3A_56 = arith.constant 0 : index
    %get3A_57 = memref.load %arg5[%get3A_55, %get3A_56] : memref<1x1xf32, #tpu.memory_space<smem>>
    %reduce_sum3A_58 = vector.shape_cast %broadcast_in_dim3A_22 : vector<2048x1xf32> to vector<1x2048x1xf32>
    %reduce_sum3A_59 = arith.constant dense<0.000000e+00> : vector<1xf32>
    %reduce_sum3A_60 = vector.multi_reduction <add>, %reduce_sum3A_58, %reduce_sum3A_59 [1, 2] : vector<1x2048x1xf32> to vector<1xf32>
    %reduce_sum3A_61 = vector.shape_cast %reduce_sum3A_60 : vector<1xf32> to vector<1x1x1xf32>
    %reduce_sum3A_62 = vector.extract %reduce_sum3A_61[0, 0, 0] : f32 from vector<1x1x1xf32>
    %add3A_63 = arith.addf %get3A_57, %reduce_sum3A_62 : f32
    %swap3A_64 = arith.constant 0 : index
    %swap3A_65 = arith.constant 0 : index
    %swap3A_66 = memref.load %arg5[%swap3A_64, %swap3A_65] : memref<1x1xf32, #tpu.memory_space<smem>>
    memref.store %add3A_63, %arg5[%swap3A_64, %swap3A_65] : memref<1x1xf32, #tpu.memory_space<smem>>
    %get3A_67 = arith.constant 0 : index
    %get3A_68 = arith.constant 0 : index
    %get3A_69 = memref.load %arg6[%get3A_67, %get3A_68] : memref<1x1xf32, #tpu.memory_space<smem>>
    %reduce_sum3A_70 = vector.shape_cast %broadcast_in_dim3A_35 : vector<1x2048xf32> to vector<1x1x2048xf32>
    %reduce_sum3A_71 = arith.constant dense<0.000000e+00> : vector<1xf32>
    %reduce_sum3A_72 = vector.multi_reduction <add>, %reduce_sum3A_70, %reduce_sum3A_71 [1, 2] : vector<1x1x2048xf32> to vector<1xf32>
    %reduce_sum3A_73 = vector.shape_cast %reduce_sum3A_72 : vector<1xf32> to vector<1x1x1xf32>
    %reduce_sum3A_74 = vector.extract %reduce_sum3A_73[0, 0, 0] : f32 from vector<1x1x1xf32>
    %add3A_75 = arith.addf %get3A_69, %reduce_sum3A_74 : f32
    %swap3A_76 = arith.constant 0 : index
    %swap3A_77 = arith.constant 0 : index
    %swap3A_78 = memref.load %arg6[%swap3A_76, %swap3A_77] : memref<1x1xf32, #tpu.memory_space<smem>>
    memref.store %add3A_75, %arg6[%swap3A_76, %swap3A_77] : memref<1x1xf32, #tpu.memory_space<smem>>
    %get3A_79 = arith.constant 0 : index
    %get3A_80 = arith.constant 0 : index
    %get3A_81 = arith.constant 0 : index
    %get3A_82 = vector.load %arg3[%get3A_79, %get3A_80, %get3A_81] : memref<1x3x2048xf32, #tpu.memory_space<vmem>>, vector<1x3x2048xf32>
    %get3A_83 = vector.shape_cast %get3A_82 : vector<1x3x2048xf32> to vector<3x2048xf32>
    %mul3A_84 = arith.mulf %get3A_83, %get3A_83 : vector<3x2048xf32>
    %reduce_sum3A_85 = arith.constant dense<0.000000e+00> : vector<2048xf32>
    %reduce_sum3A_86 = vector.multi_reduction <add>, %mul3A_84, %reduce_sum3A_85 [0] : vector<3x2048xf32> to vector<2048xf32>
    %broadcast_in_dim3A_87 = vector.shape_cast %reduce_sum3A_86 : vector<2048xf32> to vector<1x2048xf32>
    %sqrt3A = math.sqrt %broadcast_in_dim3A_87 : vector<1x2048xf32>
    %max3A = arith.constant 9.99999997E-7 : f32
    %max3A_88 = vector.broadcast %max3A : f32 to vector<1x2048xf32>
    %max3A_89 = arith.maximumf %sqrt3A, %max3A_88 : vector<1x2048xf32>
    %div3A = vector.broadcast %max3A_89 : vector<1x2048xf32> to vector<3x2048xf32>
    %div3A_90 = arith.divf %get3A_83, %div3A : vector<3x2048xf32>
    %swap3A_91 = arith.constant 0 : index
    %swap3A_92 = arith.constant 0 : index
    %swap3A_93 = arith.constant 0 : index
    %swap3A_94 = vector.load %arg9[%swap3A_91, %swap3A_92, %swap3A_93] : memref<1x3x2048xf32, #tpu.memory_space<vmem>>, vector<1x3x2048xf32>
    %swap3A_95 = vector.shape_cast %swap3A_94 : vector<1x3x2048xf32> to vector<3x2048xf32>
    %swap3A_96 = vector.shape_cast %div3A_90 : vector<3x2048xf32> to vector<1x3x2048xf32>
    tpu.vector_store %arg9[%swap3A_91, %swap3A_92, %swap3A_93], %swap3A_96 {strides = array<i32>} : memref<1x3x2048xf32, #tpu.memory_space<vmem>>, vector<1x3x2048xf32>,
    %get3A_97 = arith.constant 0 : index
    %get3A_98 = arith.constant 0 : index
    %get3A_99 = arith.constant 0 : index
    %get3A_100 = vector.load %arg4[%get3A_97, %get3A_98, %get3A_99] : memref<1x3x2048xf32, #tpu.memory_space<vmem>>, vector<1x3x2048xf32>
    %get3A_101 = vector.shape_cast %get3A_100 : vector<1x3x2048xf32> to vector<3x2048xf32>
    %mul3A_102 = arith.mulf %get3A_101, %get3A_101 : vector<3x2048xf32>
    %reduce_sum3A_103 = arith.constant dense<0.000000e+00> : vector<2048xf32>
    %reduce_sum3A_104 = vector.multi_reduction <add>, %mul3A_102, %reduce_sum3A_103 [0] : vector<3x2048xf32> to vector<2048xf32>
    %broadcast_in_dim3A_105 = vector.shape_cast %reduce_sum3A_104 : vector<2048xf32> to vector<1x2048xf32>
    %sqrt3A_106 = math.sqrt %broadcast_in_dim3A_105 : vector<1x2048xf32>
    %max3A_107 = arith.constant 9.99999997E-7 : f32
    %max3A_108 = vector.broadcast %max3A_107 : f32 to vector<1x2048xf32>
    %max3A_109 = arith.maximumf %sqrt3A_106, %max3A_108 : vector<1x2048xf32>
    %div3A_110 = vector.broadcast %max3A_109 : vector<1x2048xf32> to vector<3x2048xf32>
    %div3A_111 = arith.divf %get3A_101, %div3A_110 : vector<3x2048xf32>
    %swap3A_112 = arith.constant 0 : index
    %swap3A_113 = arith.constant 0 : index
    %swap3A_114 = arith.constant 0 : index
    %swap3A_115 = vector.load %arg10[%swap3A_112, %swap3A_113, %swap3A_114] : memref<1x3x2048xf32, #tpu.memory_space<vmem>>, vector<1x3x2048xf32>
    %swap3A_116 = vector.shape_cast %swap3A_115 : vector<1x3x2048xf32> to vector<3x2048xf32>
    %swap3A_117 = vector.shape_cast %div3A_111 : vector<3x2048xf32> to vector<1x3x2048xf32>
    tpu.vector_store %arg10[%swap3A_112, %swap3A_113, %swap3A_114], %swap3A_117 {strides = array<i32>} : memref<1x3x2048xf32, #tpu.memory_space<vmem>>, vector<1x3x2048xf32>,
    return
  }
  func.func @transform_0(%arg0: i32) -> (i32, i32, i32) {
    %c0_i32 = arith.constant 0 : i32
    %c0_i32_0 = arith.constant 0 : i32
    %c0_i32_1 = arith.constant 0 : i32
    return %arg0, %c0_i32, %c0_i32_0 : i32, i32, i32
  }
  func.func @transform_1(%arg0: i32) -> (i32, i32, i32) {
    %c0_i32 = arith.constant 0 : i32
    %c0_i32_0 = arith.constant 0 : i32
    %c0_i32_1 = arith.constant 0 : i32
    return %arg0, %c0_i32, %c0_i32_0 : i32, i32, i32
  }
  func.func @transform_2(%arg0: i32) -> (i32, i32, i32) {
    %c0_i32 = arith.constant 0 : i32
    %c0_i32_0 = arith.constant 0 : i32
    %c0_i32_1 = arith.constant 0 : i32
    return %arg0, %c0_i32, %c0_i32_0 : i32, i32, i32
  }
  func.func @transform_3(%arg0: i32) -> (i32, i32, i32) {
    %c0_i32 = arith.constant 0 : i32
    %c0_i32_0 = arith.constant 0 : i32
    %c0_i32_1 = arith.constant 0 : i32
    return %arg0, %c0_i32, %c0_i32_0 : i32, i32, i32
  }
  func.func @transform_4(%arg0: i32) -> (i32, i32) {
    %c0_i32 = arith.constant 0 : i32
    %c0_i32_0 = arith.constant 0 : i32
    %c0_i32_1 = arith.constant 0 : i32
    return %c0_i32, %c0_i32_0 : i32, i32
  }
  func.func @transform_5(%arg0: i32) -> (i32, i32) {
    %c0_i32 = arith.constant 0 : i32
    %c0_i32_0 = arith.constant 0 : i32
    %c0_i32_1 = arith.constant 0 : i32
    return %c0_i32, %c0_i32_0 : i32, i32
  }
  func.func @transform_6(%arg0: i32) -> (i32, i32, i32) {
    %c0_i32 = arith.constant 0 : i32
    %c0_i32_0 = arith.constant 0 : i32
    %c0_i32_1 = arith.constant 0 : i32
    return %arg0, %c0_i32, %c0_i32_0 : i32, i32, i32
  }
  func.func @transform_7(%arg0: i32) -> (i32, i32, i32) {
    %c0_i32 = arith.constant 0 : i32
    %c0_i32_0 = arith.constant 0 : i32
    %c0_i32_1 = arith.constant 0 : i32
    return %arg0, %c0_i32, %c0_i32_0 : i32, i32, i32
  }
  func.func @transform_8(%arg0: i32) -> (i32, i32, i32) {
    %c0_i32 = arith.constant 0 : i32
    %c0_i32_0 = arith.constant 0 : i32
    %c0_i32_1 = arith.constant 0 : i32
    return %arg0, %c0_i32, %c0_i32_0 : i32, i32, i32
  }
  func.func @transform_9(%arg0: i32) -> (i32, i32, i32) {
    %c0_i32 = arith.constant 0 : i32
    %c0_i32_0 = arith.constant 0 : i32
    %c0_i32_1 = arith.constant 0 : i32
    return %arg0, %c0_i32, %c0_i32_0 : i32, i32, i32
  }
}

</mosaic_0001>

<sc_bundles>
// kernel: kernel.4.cloned.1.call-start
scs
__scs_entry_jumppad:
0x0: {  	(pc) =	sbr.rel $0x88, $3  }
0x1: {  	(tag) =	ssettag $0x0;
	lr =	simm.s32 $0x1  }
0x2: {  	[smem:$0x3F9D] =	sst lr;
	_ =	strace $0xD0000000  }
0x3: {  	_ = 	snop  }
0x4: {  	_ = 	snop  }
0x5: {  	_ = 	snop  }
0x6: {  	_ = 	snop  }
0x7: {  	_ = 	snop  }
__scs_overlays_trampoline_lowered:
0x8: {  	[smem:$0x3FAC] =	sst s0  }
0x9: {  	[smem:$0x3FAD] =	sst s1  }
0xa: {  	[smem:$0x3FAE] =	sst s2  }
0xb: {  	[smem:$0x3FAF] =	sst s3  }
0xc: {  	[smem:$0x3FB0] =	sst s4  }
0xd: {  	[smem:$0x3FB1] =	sst s5  }
0xe: {  	[smem:$0x3FB2] =	sst s6  }
0xf: {  	[smem:$0x3FB3] =	sst s7  }
0x10: {  	[smem:$0x3FB4] =	sst s8  }
0x11: {  	[smem:$0x3FB5] =	sst s9;
	s0 =	simm.s32 @!p0 $0x0  }
0x12: {  	s1 =	sld [smem:$0x3F9B];
	s0 =	simm.s32 @p0 $0x1  }
0x13: {  	[smem:$0x3FB6] =	sst s0;
	s0 =	simm.s32 @!p1 $0x0  }
0x14: {  	s2 =	sld [smem:$0x3F9A];
	s0 =	simm.s32 @p1 $0x1  }
0x15: {  	[smem:$0x3FB7] =	sst s0;
	s0 =	simm.s32 @!p2 $0x0  }
0x16: {  	s3 =	sld [smem:$0x3FDB];
	s0 =	simm.s32 @p2 $0x1  }
0x17: {  	s4 =	simm.s32 $0x1BF5;
	[smem:$0x3FB9] =	sst s0  }
0x18: {  	s0 =	sld [smem:$0x3F9C];
	_ =	swait.ge [sflag:s4], $0x0  }
0x19: {  	s7 =	sld [smem:$0x3F9D]  }
0x1a: {  	s8 =	sadd.s32 $0xFFFFE003, lr  }
0x1b: {  	s9 =	sadd.s32 $0xFFFFFEF7, lr;
	s5 =	simm.s32 $0xFFFFFFFF;
	p2 =	slt.u32 s8, $0xFFFFF086  }
0x1c: {  	p1 =	slt.u32 s9, $0xF7A;
	s5 =	simm.s32 @!p2 $0x0  }
0x1d: {  	s5 =	simm.s32 @p1 $0x1;
	p0 =	seq.s32 s7, s2  }
0x1e: {  	s7 =	smul.u32 @!p0 $0xF7A, s2;
	p2 =	seq.s32 @!p0 s5, $0x0  }
0x1f: {  	s9 =	smul.u32 $0xF7A, s1;
	s8 =	simm.s32 @!p0 $0x1BF5;
	p2 =	por !p2, p0  }
0x20: {  	[sflag:s8] =	ssyncset.s32 @!p0 $0xFFFFF086;
	s6 =	sadd.s32 @!p0 s3, s7;
	s7 =	simm.s32 @!p0 $0x108  }
0x21: {  	s3 =	sadd.s32 s3, s9;
	s6 =	sadd.s32 @!p0 $0x88, s6;
	s7 =	simm.s32 @p2 $0x1082  }
0x22: {  	[simem:s7], [sflag:s8] =	dma.local @!p0 [hbm:s6], $0xF7A  }
0x23: {  	s9 =	sor.u32 $0xD0000000, s2;
	s6 =	simm.s32 $0x108;
	_ =	swait.ge @!p0 [sflag:s8], $0x0  }
0x24: {  	s3 =	sadd.s32 $0x88, s3;
	s6 =	simm.s32 @!p1 $0x1082;
	[sflag:s4] =	ssyncset.s32 $0xFFFFF086  }
0x25: {  	[simem:s6], [sflag:s4] =	dma.local [hbm:s3], $0xF7A  }
0x26: {  	[smem:$0x3F9D] =	sst s1;
	(tag) =	ssettag s2;
	_ =	strace s9  }
0x27: {  	s1 =	sld [smem:$0x3FAD]  }
0x28: {  	s2 =	sld [smem:$0x3FAE]  }
0x29: {  	s4 =	sld [smem:$0x3FB0]  }
0x2a: {  	p0 =	seq.s32 s5, $0x0;
	s5 =	sld [smem:$0x3FB1]  }
0x2b: {  	s6 =	sld [smem:$0x3FB2]  }
0x2c: {  	s7 =	sld [smem:$0x3FB3]  }
0x2d: {  	s3 =	simm.s32 $0x108;
	s8 =	sld [smem:$0x3FB4]  }
0x2e: {  	s3 =	simm.s32 @!p0 $0x1082;
	s9 =	sld [smem:$0x3FB5]  }
0x2f: {  	lr =	sadd.s32 s0, s3;
	s0 =	sld [smem:$0x3FAC]  }
0x30: {  	s3 =	sld [smem:$0x3FAF]  }
0x31: {  	[smem:$0x3FB8] =	sst s10  }
0x32: {  	s10 =	sld [smem:$0x3FB6];
	_ =	sdelay $0x3  }
0x33: {  	p0 =	seq.s32 s10, $0x1;
	s10 =	sld [smem:$0x3FB8];
	_ =	sdelay $0x3  }
0x34: {  	[smem:$0x3FB8] =	sst s10  }
0x35: {  	s10 =	sld [smem:$0x3FB7];
	_ =	sdelay $0x3  }
0x36: {  	p1 =	seq.s32 s10, $0x1;
	s10 =	sld [smem:$0x3FB8];
	_ =	sdelay $0x3  }
0x37: {  	[smem:$0x3FB8] =	sst s10  }
0x38: {  	s10 =	sld [smem:$0x3FB9]  }
0x39: {  	_ = 	snop;
	(pc) =	sbr.ind lr, $3  }
0x3a: {  	_ = 	snop  }
0x3b: {  	_ = 	snop  }
0x3c: {  	p2 =	seq.s32 s10, $0x1;
	s10 =	sld [smem:$0x3FB8]  }
0x3d: {  	_ =	shalt  }
0x3e: {  	_ =	shalt  }
0x3f: {  	_ =	shalt  }
0x40: {  	_ =	shalt  }
0x41: {  	_ =	shalt  }
0x42: {  	_ =	shalt  }
0x43: {  	_ =	shalt  }
0x44: {  	_ =	shalt  }
0x45: {  	_ =	shalt  }
0x46: {  	_ =	shalt  }
0x47: {  	_ =	shalt  }
0x48: {  	_ =	shalt  }
0x49: {  	_ =	shalt  }
0x4a: {  	_ =	shalt  }
0x4b: {  	_ =	shalt  }
0x4c: {  	_ =	shalt  }
0x4d: {  	_ =	shalt  }
0x4e: {  	_ =	shalt  }
0x4f: {  	_ =	shalt  }
0x50: {  	_ =	shalt  }
0x51: {  	_ =	shalt  }
0x52: {  	_ =	shalt  }
0x53: {  	_ =	shalt  }
0x54: {  	_ =	shalt  }
0x55: {  	_ =	shalt  }
0x56: {  	_ =	shalt  }
0x57: {  	_ =	shalt  }
0x58: {  	_ =	shalt  }
0x59: {  	_ =	shalt  }
0x5a: {  	_ =	shalt  }
0x5b: {  	_ =	shalt  }
0x5c: {  	_ =	shalt  }
0x5d: {  	_ =	shalt  }
0x5e: {  	_ =	shalt  }
0x5f: {  	_ =	shalt  }
0x60: {  	_ =	shalt  }
0x61: {  	_ =	shalt  }
0x62: {  	_ =	shalt  }
0x63: {  	_ =	shalt  }
0x64: {  	_ =	shalt  }
0x65: {  	_ =	shalt  }
0x66: {  	_ =	shalt  }
0x67: {  	_ =	shalt  }
0x68: {  	_ =	shalt  }
0x69: {  	_ =	shalt  }
0x6a: {  	_ =	shalt  }
0x6b: {  	_ =	shalt  }
0x6c: {  	_ =	shalt  }
0x6d: {  	_ =	shalt  }
0x6e: {  	_ =	shalt  }
0x6f: {  	_ =	shalt  }
0x70: {  	_ =	shalt  }
0x71: {  	_ =	shalt  }
0x72: {  	_ =	shalt  }
0x73: {  	_ =	shalt  }
0x74: {  	_ =	shalt  }
0x75: {  	_ =	shalt  }
0x76: {  	_ =	shalt  }
0x77: {  	_ =	shalt  }
0x78: {  	_ =	shalt  }
0x79: {  	_ =	shalt  }
0x7a: {  	_ =	shalt  }
0x7b: {  	_ =	shalt  }
0x7c: {  	_ =	shalt  }
0x7d: {  	_ =	shalt  }
0x7e: {  	_ =	shalt  }
0x7f: {  	_ =	shalt  }
0x80: {  	_ =	shalt  }
0x81: {  	_ =	shalt  }
0x82: {  	_ =	shalt  }
0x83: {  	_ =	shalt  }
0x84: {  	_ =	shalt  }
0x85: {  	_ =	shalt  }
0x86: {  	_ =	shalt  }
0x87: {  	_ =	shalt  }
.Lfunc_end0:
.L_simem_size_0:
called_computation_lowered:
.L_overlay_start_0:
0x88: {  	s2 =	sld [smem:$0x3FD9]  }
0x89: {  	s3 =	sld [smem:$0x3FFE];
	_ =	sdelay $0x1  }
0x8a: {  	s1 =	srdreg.scid  }
0x8b: {  	s0 =	sand.u32 $0x1, s1  }
0x8c: {  	s16 =	sshll.u32 s0, $0xA;
	s2 =	sadd.s32 s3, s2  }
0x8d: {  	s2 =	sadd.s32 s2, s16  }
0x8e: {  	[smem:$0x3FC4] =	sst s2  }
0x8f: {  	_ = 	snop  }
0x90: {  	(tm) =	ssettm $0x1  }
0x91: {  	s17 =	sld [smem:$0x3FFB];
	_ =	sdelay $0x3  }
0x92: {  	_ =	strace s17  }
0x93: {  	s2 =	sld [smem:$0x3FFC];
	_ =	sdelay $0x3  }
0x94: {  	_ =	strace s2  }
0x95: {  	s2 =	sld [smem:$0x3FFD];
	_ =	sdelay $0x3  }
0x96: {  	_ =	strace s2  }
0x97: {  	_ =	strace $0x8FFFFFFF  }
0x98: {  	s18 =	sld [smem:$0x3FDB];
	_ =	sdelay $0x1  }
0x99: {  	s19 =	simm.s32 $_scs_section_size  }
0x9a: {  	s4 =	simm.s32 $_size__tile_overlayer_lowered;
	s5 =	simm.s32 $_tile_overlayer_lowered  }
0x9b: {  	s22 =	simm.s32 $0x1BFF;
	s21 =	sshll.u32 s5, $0x1;
	s2 =	sadd.s32 s19, s18  }
0x9c: {  	s6 =	simm.s32 $0x0;
	s20 =	sshll.u32 s4, $0x1;
	s4 =	sadd.s32 s21, s2  }
0x9d: {  	[timem:s6], [sflag:s22] =	dma.local [hbm:s4], s20  }
0x9e: {  	_ =	swait.ge [sflag:s22], s20  }
0x9f: {  	s3 =	ssub.s32 $0x0, s20;
	[sflag:s22] =	ssyncset.done $0x0  }
0xa0: {  	[sflag:s22] =	ssyncadd.s32 s3;
	_ =	sdelay $0x1  }
0xa1: {  	s23 =	simm.s32 $0x1B8B  }
0xa2: {  	_ =	swait.ge [sflag:s23], $0x1  }
0xa3: {  	[sflag:s23] =	ssyncset.done $0x0  }
0xa4: {  	s25 =	simm.s32 $0x1B8E;
	s24 =	sld [smem:$0x3FFE];
	[sflag:s23] =	ssyncadd.s32 $0xFFFFFFFF  }
0xa5: {  	s26 =	simm.s32 $execute0_lowered;
	[smem:$0x3FD2] =	sst s25  }
0xa6: {  	s4 =	sshll.u32 s26, $0x1;
	_ =	strace $0x80000046;
	[dreg:$0x1] =	wrdreg $0xFFFFFFFF  }
0xa7: {  	s28 =	simm.s32 $_size_execute0_lowered;
	s2 =	sadd.s32 s2, s4;
	[dreg:$0x0] =	wrdreg $0x0  }
0xa8: {  	s4 =	sshll.u32 s28, $0x1;
	[dreg:$0x2] =	wrdreg s2  }
0xa9: {  	[dreg:$0x3] =	wrdreg s4  }
0xaa: {  	[dreg:$0x4] =	wrdreg $0xC0  }
0xab: {  	_ =	task [dreg:s6], $0x5FFFF  }
0xac: {  	[dreg:$0x1] =	wrdreg $0xFFFFFFFF  }
0xad: {  	[dreg:$0x0] =	wrdreg $0x60  }
0xae: {  	[dreg:$0x2] =	wrdreg s24  }
0xaf: {  	[dreg:$0x3] =	wrdreg $0x9  }
0xb0: {  	_ =	task.clear_ibuf [dreg:s6], $0x4FFFF;
	_ =	strace $0x90000046  }
0xb1: {  	s29 =	simm.s32 $0x9;
	_ =	strace $0x80000048  }
0xb2: {  	_ =	swait.ge [sflag:s29], $0x1  }
0xb3: {  	[sflag:s29] =	ssyncadd.s32 $0xFFFFFFFF  }
0xb4: {  	_ =	strace $0x90000048  }
0xb5: {  	_ =	sfence  }
0xb6: {  	s30 =	sld [smem:$0x0];
	_ =	sdelay $0x2  }
0xb7: {  	s31 =	sshll.u32 s1, $0xD;
	s1 =	sshrl.u32 s1, $0x2  }
0xb8: {  	s3 =	sand.u32 $0x4000, s31;
	s1 =	sadd.s32 s1, s30  }
0xb9: {  	s0 =	sor.u32 s3, s0;
	s1 =	sshll.u32 s1, $0x11  }
0xba: {  	s0 =	sor.u32 s1, s0  }
0xbb: {  	s0 =	sadd.s32 $0x8F2B, s0  }
0xbc: {  	[sflag:s0] =	ssyncadd.remote.s32 $0x1  }
0xbd: {  	_ =	sfence.sel $0xFFFF  }
0xbe: {  	[dreg:$0x0] =	wrdreg $0xFFFFFFFF;
	(pc) =	sbr.abs _section_cstart, $3  }
0xbf: {  	[dreg:$0x1] =	wrdreg $0xFFFFFFFF  }
0xc0: {  	_ =	task.clear_ibuf [dreg:s6], $0x2FFFF;
	_ =	strace $0x9FFFFFFF  }
0xc1: {  	(tm) =	ssettm $0x7FFFFFFF  }
tec
execute0_lowered:
.L_overlay_start_1:
0x0: {  	(tag) =	ssettag $0x1  }
0x1: {  	s4 =	rddreg [dreg:$0x0]  }
0x2: {  	s0 =	rddreg [dreg:$0x1];
	s2 =	simm.s32 $0x0  }
0x3: {  	s1 =	stileid.u32;
	s5 =	srdreg.scid;
	s11 =	simm.s32 $0x1800  }
0x4: {  	s12 =	simm.s32 $0x3000;
	s13 =	simm.s32 $0x3200;
	s14 =	simm.s32 $0x3400  }
0x5: {  	s15 =	simm.s32 $0x3410;
	[smem:$0x7FF] =	sst s2;
	s3 =	sshrl.u32 s1, $0x1  }
0x6: {  	s5 =	sand.u32 $0x1, s5;
	s7 =	sshll.u32 s1, $0x1;
	s30 =	sshll.u32 s1, $0xA  }
0x7: {  	s6 =	smul.u32 $0x300, s3;
	_ =	strace $0x80000047;
	s7 =	sor.u32 s5, s7  }
0x8: {  	s9 =	ssub.s32 $0x2, s5;
	s3 =	sshll.u32 s3, $0xB;
	s31 =	sshll.u32 s5, $0x9  }
0x9: {  	s8 =	sshll.u32 s7, $0x1;
	s7 =	sshll.u32 s7, $0x9;
	s10 =	sshrl.u32 s9, $0x1  }
0xa: {  	s6 =	sadd.s32 s6, s4;
	s7 =	sand.u32 $0x600, s7;
	s8 =	sadd.s32 s8, s4  }
0xb: {  	s9 =	ssub.s32 s9, s10;
	s10 =	sor.u32 s31, s30;
	s7 =	sor.u32 s3, s7  }
0xc: {  	s3 =	sadd.s32 $0x800, s6;
	s5 =	sadd.s32 $0x2800, s6;
	s16 =	sand.u32 $0x600, s10  }
0xd: {  	s9 =	smax.u32 s9, $0x1;
	s10 =	simm.s32 $0x1;
	s7 =	sshrl.u32 s7, $0x3  }
0xe: {  	s17 =	sor.u32 $0x1800, s16;
	v0 =	vmov s16;
	s16 =	simm.s32 $0x0;
	s4 =	sadd.s32 s4, s7  }
0xf: {  	s7 =	sadd.s32 $0x4000, s8;
	s8 =	sadd.s32 $0x4040, s8;
	v1 =	vmov s17;
	s6 =	sadd.s32 $0x2000, s4  }
.LBB2_1:
0x10: {  	[tilespmem:s2], [sflag:$0x1] =	stream.linear.gather [hbm4b:s3+s2], $0x1800, $0x38;
	[tilespmem:$0x3420] =	vst v63  }
0x11: {  	_ =	swait.ge [sflag:s10], $0x1800  }
0x12: {  	[sflag:s10] =	ssyncset.done $0x0  }
0x13: {  	[sflag:s10] =	ssyncadd.s32 $0xFFFFE800  }
0x14: {  	[tilespmem:s11], [sflag:$0x1] =	stream.linear.gather [hbm4b:s5+s2], $0x1800, $0x38;
	[tilespmem:$0x3420] =	vst v63  }
0x15: {  	_ =	swait.ge [sflag:s10], $0x1800  }
0x16: {  	[sflag:s10] =	ssyncset.done $0x0  }
0x17: {  	[sflag:s10] =	ssyncadd.s32 $0xFFFFE800  }
0x18: {  	[tilespmem:s12], [sflag:$0x1] =	stream.linear.gather [hbm4b:s6+s2], $0x200, $0x38;
	[tilespmem:$0x3420] =	vst v63  }
0x19: {  	_ =	swait.ge [sflag:s10], $0x200  }
0x1a: {  	[sflag:s10] =	ssyncset.done $0x0  }
0x1b: {  	[sflag:s10] =	ssyncadd.s32 $0xFFFFFE00  }
0x1c: {  	[tilespmem:s13], [sflag:$0x1] =	stream.linear.gather [hbm4b:s4+s2], $0x200, $0x38;
	[tilespmem:$0x3420] =	vst v63  }
0x1d: {  	_ =	swait.ge [sflag:s10], $0x200  }
0x1e: {  	[sflag:s10] =	ssyncset.done $0x0  }
0x1f: {  	s17 =	simm.s32 $0x0;
	[sflag:s10] =	ssyncadd.s32 $0xFFFFFE00  }
0x20: {  	v2 =	vld [tilespmem:s17+$0x3200]  }
0x21: {  	v3 =	vld [tilespmem:s17+$0x3000]  }
0x22: {  	v10 =	vld.idx.msk [tilespmem:v0+s17+$0x0 ss:$0x1], $0xffff  }
0x23: {  	v11 =	vld.idx.msk [tilespmem:v0+s17+$0x800 ss:$0x1], $0xffff  }
0x24: {  	v14 =	vld.idx.msk [tilespmem:v0+s17+$0x1000 ss:$0x1], $0xffff  }
0x25: {  	v5 =	vld.idx.msk [tilespmem:v1+s17+$0x0 ss:$0x1], $0xffff  }
0x26: {  	v8 =	vld.idx.msk [tilespmem:v1+s17+$0x800 ss:$0x1], $0xffff;
	v4 =	vadd.s32 $0x800, v2  }
0x27: {  	s31 =	simm.s32 $0x10;
	v13 =	vld.idx.msk [tilespmem:v1+s17+$0x1000 ss:$0x1], $0xffff;
	v7 =	vadd.s32 $0x800, v3  }
0x28: {  	v17 =	vld [tilespmem:s31+$0x3200];
	v6 =	vadd.s32 $0x1000, v2  }
0x29: {  	v9 =	vld [tilespmem:s31+$0x3000]  }
0x2a: {  	v2 =	vld.idx.msk [tilespmem:v2+s2+$0x0], $0xffff  }
0x2b: {  	v12 =	vld.idx.msk [tilespmem:v4+s2+$0x0], $0xffff  }
0x2c: {  	v16 =	vld.idx.msk [tilespmem:v7+s11+$0x0], $0xffff;
	v7 =	vadd.s32 $0x1000, v3  }
0x2d: {  	v15 =	vld.idx.msk [tilespmem:v6+s2+$0x0], $0xffff  }
0x2e: {  	v3 =	vld.idx.msk [tilespmem:v3+s11+$0x0], $0xffff  }
0x2f: {  	v18 =	vadd.s32 $0x800, v17;
	v4 =	vld.idx.msk [tilespmem:v0+s31+$0x0 ss:$0x1], $0xffff  }
0x30: {  	v6 =	vld.idx.msk [tilespmem:v0+s31+$0x800 ss:$0x1], $0xffff;
	v2 =	vmul.f32 v2, v5;
	v5 =	vmul.f32 v12, v8  }
0x31: {  	v19 =	vld.idx.msk [tilespmem:v7+s11+$0x0], $0xffff  }
0x32: {  	v8 =	vmul.f32 v15, v13;
	v7 =	vld.idx.msk [tilespmem:v1+s31+$0x0 ss:$0x1], $0xffff;
	v2 =	vadd.f32 v5, v2  }
0x33: {  	v20 =	vadd.s32 $0x800, v9;
	v15 =	vadd.s32 $0x1000, v17;
	v12 =	vld.idx.msk [tilespmem:v17+s2+$0x0], $0xffff  }
0x34: {  	v11 =	vmul.f32 v16, v11;
	v3 =	vmul.f32 v3, v10;
	v13 =	vld.idx.msk [tilespmem:v18+s2+$0x0], $0xffff;
	v2 =	vadd.f32 v8, v2  }
0x35: {  	v5 =	vld.idx.msk [tilespmem:v0+s31+$0x1000 ss:$0x1], $0xffff  }
0x36: {  	v16 =	vadd.f32 v11, v3;
	v11 =	vld.idx.msk [tilespmem:v1+s31+$0x1000 ss:$0x1], $0xffff;
	v2 =	vand.u32 $0x7FFFFFFF, v2  }
0x37: {  	v8 =	vld.idx.msk [tilespmem:v1+s31+$0x800 ss:$0x1], $0xffff;
	v17 =	vmul.f32 v19, v14;
	v2 =	vsub.f32 $1.000000000e+00, v2  }
0x38: {  	v3 =	vimm.f32 $0.0e+00;
	v14 =	vld.idx.msk [tilespmem:v15+s2+$0x0], $0xffff  }
0x39: {  	s18 =	simm.s32 $0xC0;
	s17 =	simm.s32 $0x20;
	v10 =	vadd.s32 $0x1000, v9;
	v15 =	vld.idx.msk [tilespmem:v20+s11+$0x0], $0xffff;
	v16 =	vadd.f32 v17, v16;
	v2 =	vadd.f32 v2, v3  }
.LBB2_2:
0x3a: {  	p0 =	sne.s32 s18, $0x7C0;
	v17 =	vld [tilespmem:s17+$0x3200]  }
0x3b: {  	v18 =	vld [tilespmem:s17+$0x3000];
	v16 =	vand.u32 $0x7FFFFFFF, v16  }
0x3c: {  	v7 =	vmul.f32 v12, v7;
	v8 =	vmul.f32 v13, v8;
	v19 =	vld.idx.msk [tilespmem:v9+s11+$0x0], $0xffff;
	v9 =	vsub.f32 $1.000000000e+00, v16  }
0x3d: {  	v13 =	vld.idx.msk [tilespmem:v0+s17+$0x0 ss:$0x1], $0xffff  }
0x3e: {  	v7 =	vadd.f32 v8, v7;
	v8 =	vmul.f32 v14, v11;
	v16 =	vld.idx.msk [tilespmem:v0+s17+$0x800 ss:$0x1], $0xffff;
	v3 =	vadd.f32 v9, v3  }
0x3f: {  	v6 =	vmul.f32 v15, v6;
	v11 =	vadd.s32 $0x800, v17;
	v14 =	vld.idx.msk [tilespmem:v10+s11+$0x0], $0xffff  }
0x40: {  	v12 =	vadd.f32 v8, v7;
	v15 =	vld.idx.msk [tilespmem:v0+s17+$0x1000 ss:$0x1], $0xffff;
	v20 =	vadd.s32 $0x800, v18;
	v10 =	vadd.s32 $0x1000, v18;
	v9 =	vmovc v18  }
0x41: {  	v18 =	vadd.s32 $0x1000, v17;
	v7 =	vld.idx.msk [tilespmem:v1+s17+$0x0 ss:$0x1], $0xffff  }
0x42: {  	v19 =	vmul.f32 v19, v4;
	v21 =	vand.u32 $0x7FFFFFFF, v12;
	v8 =	vld.idx.msk [tilespmem:v1+s17+$0x800 ss:$0x1], $0xffff  }
.Ltmp0:
0x43: {  	v4 =	vmov v13;
	v12 =	vld.idx.msk [tilespmem:v17+s2+$0x0], $0xffff;
	v17 =	vsub.f32 $1.000000000e+00, v21;
	(pc) =	sbr.rel @p0 .LBB2_2-.Ltmp0, $4  }
0x44: {  	v19 =	vadd.f32 v6, v19;
	v6 =	vmov v16;
	v13 =	vld.idx.msk [tilespmem:v11+s2+$0x0], $0xffff  }
0x45: {  	v16 =	vmul.f32 v14, v5;
	v11 =	vld.idx.msk [tilespmem:v1+s17+$0x1000 ss:$0x1], $0xffff;
	v2 =	vadd.f32 v17, v2  }
0x46: {  	v5 =	vmov v15;
	v14 =	vld.idx.msk [tilespmem:v18+s2+$0x0], $0xffff  }
0x47: {  	s17 =	sshra.s32 s18, $0x2;
	s18 =	sadd.s32 $0x40, s18;
	v16 =	vadd.f32 v16, v19;
	v15 =	vld.idx.msk [tilespmem:v20+s11+$0x0], $0xffff  }
0x48: {  	_ =	sdelay $0x1  }
0x49: {  	v17 =	vld [tilespmem:s17+$0x3200]  }
0x4a: {  	v18 =	vld [tilespmem:s17+$0x3000]  }
0x4b: {  	v9 =	vld.idx.msk [tilespmem:v9+s11+$0x0], $0xffff  }
0x4c: {  	v19 =	vld.idx.msk [tilespmem:v0+s17+$0x0 ss:$0x1], $0xffff  }
0x4d: {  	v20 =	vld.idx.msk [tilespmem:v0+s17+$0x800 ss:$0x1], $0xffff  }
0x4e: {  	v10 =	vld.idx.msk [tilespmem:v10+s11+$0x0], $0xffff  }
0x4f: {  	v22 =	vld.idx.msk [tilespmem:v0+s17+$0x1000 ss:$0x1], $0xffff  }
0x50: {  	v24 =	vld.idx.msk [tilespmem:v1+s17+$0x0 ss:$0x1], $0xffff;
	v23 =	vadd.s32 $0x800, v18  }
0x51: {  	v25 =	vld.idx.msk [tilespmem:v1+s17+$0x800 ss:$0x1], $0xffff;
	v21 =	vadd.s32 $0x800, v17  }
0x52: {  	v51 =	vld.idx.msk [tilespmem:v1+s17+$0x1000 ss:$0x1], $0xffff;
	v26 =	vadd.s32 $0x1000, v18  }
0x53: {  	v27 =	vld.idx.msk [tilespmem:v17+s2+$0x0], $0xffff;
	v17 =	vadd.s32 $0x1000, v17  }
0x54: {  	v18 =	vld.idx.msk [tilespmem:v18+s11+$0x0], $0xffff  }
0x55: {  	v23 =	vld.idx.msk [tilespmem:v23+s11+$0x0], $0xffff  }
0x56: {  	v21 =	vld.idx.msk [tilespmem:v21+s2+$0x0], $0xffff  }
0x57: {  	v7 =	vmul.f32 v12, v7;
	v8 =	vmul.f32 v13, v8;
	v52 =	vld.idx.msk [tilespmem:v26+s11+$0x0], $0xffff  }
0x58: {  	v54 =	vand.u32 $0x7FFFFFFF, v16;
	v6 =	vmul.f32 v15, v6;
	v4 =	vmul.f32 v9, v4;
	v53 =	vld.idx.msk [tilespmem:v17+s2+$0x0], $0xffff  }
0x59: {  	v11 =	vmul.f32 v14, v11;
	v7 =	vadd.f32 v8, v7;
	v5 =	vmul.f32 v10, v5  }
0x5a: {  	v4 =	vadd.f32 v6, v4;
	v56 =	vmul.f32 v18, v19;
	v55 =	vmul.f32 v23, v20  }
0x5b: {  	v6 =	vsub.f32 $1.000000000e+00, v54;
	v57 =	vmul.f32 v27, v24;
	v58 =	vmul.f32 v21, v25  }
0x5c: {  	v4 =	vadd.f32 v5, v4;
	v9 =	vmul.f32 v52, v22;
	v59 =	vadd.f32 v55, v56  }
0x5d: {  	v7 =	vadd.f32 v11, v7;
	v8 =	vadd.f32 v58, v57;
	v60 =	vmul.f32 v53, v51  }
0x5e: {  	v3 =	vadd.f32 v6, v3;
	v4 =	vand.u32 $0x7FFFFFFF, v4;
	v5 =	vadd.f32 v9, v59  }
0x5f: {  	v61 =	vand.u32 $0x7FFFFFFF, v7;
	v4 =	vsub.f32 $1.000000000e+00, v4;
	v62 =	vadd.f32 v60, v8  }
0x60: {  	v6 =	vsub.f32 $1.000000000e+00, v61;
	v5 =	vand.u32 $0x7FFFFFFF, v5  }
0x61: {  	v3 =	vadd.f32 v4, v3;
	v63 =	vand.u32 $0x7FFFFFFF, v62;
	v5 =	vsub.f32 $1.000000000e+00, v5  }
0x62: {  	v2 =	vadd.f32 v6, v2;
	v4 =	vsub.f32 $1.000000000e+00, v63  }
0x63: {  	v3 =	vadd.f32 v5, v3  }
0x64: {  	v2 =	vadd.f32 v4, v2  }
0x65: {  	[tilespmem:$0x3400] =	vst v3  }
0x66: {  	[tilespmem:$0x3410] =	vst v2  }
0x67: {  	[hbm4b:s7+s2] =	stream.linear.scatter [tilespmem:s14], [sflag:$0x1], $0x10, $0x38;
	[tilespmem:$0x3420] =	vst v63  }
0x68: {  	s16 =	sadd.s32 $0x1, s16;
	_ =	swait.ge [sflag:s10], $0x10  }
0x69: {  	p0 =	sne.s32 s16, s9;
	[sflag:s10] =	ssyncset.done $0x0  }
.Ltmp1:
0x6a: {  	[sflag:s10] =	ssyncadd.s32 $0xFFFFFFF0;
	(pc) =	sbr.rel @p0 .LBB2_1-.Ltmp1, $4  }
0x6b: {  	[hbm4b:s8+s2] =	stream.linear.scatter [tilespmem:s15], [sflag:$0x1], $0x10, $0x38;
	[tilespmem:$0x3420] =	vst v63  }
0x6c: {  	_ =	swait.ge [sflag:s10], $0x10  }
0x6d: {  	[sflag:s10] =	ssyncset.done $0x0  }
0x6e: {  	[sflag:s10] =	ssyncadd.s32 $0xFFFFFFF0  }
0x6f: {  	_ =	sfence.sel $0x180000  }
0x70: {  	[bflag:$0x0] =	sbarrier.arrive $0xFFFF  }
0x71: {  	p0 =	sne.s32 s1, $0x0;
	_ =	strace $0x90000047  }
0x72: {  	s0 =	sadd.s32 @!p0 $0x100000, s0;
	[bflag:$0x2] =	sbarrier.arrive $0xFFFF  }
0x73: {  	[sflag:s0] =	ssyncadd.tile.s32 @!p0 $0x1;
	_ =	shalt  }
.Lfunc_end2:
_tile_overlayer_lowered:
.L_overlay_start_2:
0x74: {  	(tag) =	ssettag $0x2  }
0x75: {  	s0 =	rddreg [dreg:$0x0];
	s2 =	stileid.u32  }
0x76: {  	s1 =	rddreg [dreg:$0x1];
	p0 =	sne.s32 s2, $0x0  }
0x77: {  	s3 =	rddreg [dreg:$0x2];
	[bflag:$0x3] =	sbarrier.arrive $0xFFFF;
	s2 =	simm.s32 @!p0 $0x1C01  }
0x78: {  	[timem:s3], [sflag:s2] =	dma.local @!p0 [hbm:s0], s1  }
0x79: {  	s0 =	simm.s32 @!p0 $0x1  }
0x7a: {  	_ =	swait.ge @!p0 [sflag:s0], s1  }
0x7b: {  	s1 =	ssub.s32 @!p0 $0x0, s1;
	[sflag:s0] =	ssyncset.done @!p0 $0x0  }
0x7c: {  	[sflag:s0] =	ssyncadd.s32 @!p0 s1  }
0x7d: {  	[bflag:$0x3] =	sbarrier.arrive $0xFFFF  }
0x7e: {  	_ =	shalt  }

</sc_bundles>
